<compile_context>
chip_gen: v7x
topology: tpu7x:2x2x1
jax: 0.10.2.dev20260603
libtpu: 0.0.44.dev20260713+nightly
codegen_flags: <defaults>
</compile_context>

<pallas_src>
import functools

import jax
import jax.numpy as jnp
from jax import lax
from jax.experimental import pallas as pl
from jax.experimental.pallas import tpu as pltpu
from jax.experimental.pallas import tpu_sc as plsc

N_NODES = 10000
D_FEAT = 128
D_OUT = 128

NC = 2
NS = 16
NW = NC * NS
L = 16
E_CHUNK = 128
STAGE_CH = 16
N_PAD = 10240
BLK = 2048


@functools.lru_cache(maxsize=None)
def _sc_aggregate(n_edges_pad):
    nch = n_edges_pad // (NW * E_CHUNK)
    wb_rows = N_PAD // NS

    mesh = plsc.VectorSubcoreMesh(core_axis_name="c", subcore_axis_name="s")

    @functools.partial(
        pl.kernel,
        mesh=mesh,
        out_type=[
            jax.ShapeDtypeStruct((NC, N_PAD, D_FEAT), jnp.float32),
            jax.ShapeDtypeStruct((NW, N_PAD), jnp.float32),
        ],
        compiler_params=pltpu.CompilerParams(needs_layout_passes=False),
    scratch_types=[
            pltpu.VMEM((STAGE_CH, E_CHUNK), jnp.int32),
            pltpu.VMEM((STAGE_CH, E_CHUNK), jnp.int32),
            pltpu.VMEM((E_CHUNK, D_FEAT), jnp.float32),
            pltpu.VMEM((E_CHUNK, D_FEAT), jnp.float32),
            pltpu.VMEM((N_PAD,), jnp.float32),
            pltpu.VMEM_SHARED((N_PAD, D_FEAT), jnp.float32),
            pltpu.SemaphoreType.DMA,
            pltpu.SemaphoreType.DMA,
            pltpu.SemaphoreType.DMA,
            pltpu.SemaphoreType.DMA,
        ],
    )
    def sc_agg(hs_hbm, src_hbm, dst_hbm, z_feat_hbm, z_deg_hbm,
               out_sum, out_deg,
               src_v, dst_v, rows0_v, rows1_v, hist_v, acc_sh,
               g0sem, g1sem, s0sem, s1sem):
        cid = lax.axis_index("c")
        sid = lax.axis_index("s")
        wid = cid * NS + sid

        pltpu.sync_copy(z_deg_hbm, hist_v)

        r0 = sid * wb_rows
        pltpu.sync_copy(z_feat_hbm.at[pl.ds(r0, wb_rows)],
                        acc_sh.at[pl.ds(r0, wb_rows)])
        plsc.subcore_barrier()

        ones16 = jnp.full((L,), 1.0, jnp.float32)
        npair = STAGE_CH // 2
        nstage = nch // STAGE_CH

        def start_gather(j, buf, sem):
            pltpu.make_async_copy(hs_hbm.at[src_v.at[j]], buf, sem).start()

        def wait_gather(buf, sem):
            pltpu.make_async_copy(hs_hbm.at[src_v.at[0]], buf, sem).wait()

        def start_scatter(j, buf, sem):
            pltpu.make_async_copy(buf, acc_sh.at[dst_v.at[j]], sem).start(add=True)

        def wait_scatter(j, buf, sem):
            pltpu.make_async_copy(buf, acc_sh.at[dst_v.at[j]], sem).wait()

        def hist(j):
            for k in range(E_CHUNK // L):
                dvec = dst_v[j, pl.ds(k * L, L)]
                plsc.addupdate_scatter(hist_v, [dvec], ones16)

        def stage_body(st, carry):
            pltpu.sync_copy(src_hbm.at[wid, pl.ds(st * STAGE_CH, STAGE_CH)],
                            src_v)
            pltpu.sync_copy(dst_hbm.at[wid, pl.ds(st * STAGE_CH, STAGE_CH)],
                            dst_v)
            start_gather(0, rows0_v, g0sem)

            def body(g, carry2):
                j0 = 2 * g
                j1 = j0 + 1
                start_gather(j1, rows1_v, g1sem)
                wait_gather(rows0_v, g0sem)
                start_scatter(j0, rows0_v, s0sem)
                hist(j0)
                wait_scatter(j0, rows0_v, s0sem)

                @pl.when(g < npair - 1)
                def _():
                    start_gather(j0 + 2, rows0_v, g0sem)

                wait_gather(rows1_v, g1sem)
                start_scatter(j1, rows1_v, s1sem)
                hist(j1)
                wait_scatter(j1, rows1_v, s1sem)
                return carry2

            lax.fori_loop(0, npair, body, 0)
            return carry

        lax.fori_loop(0, nstage, stage_body, 0)

        pltpu.sync_copy(hist_v, out_deg.at[wid])
        plsc.subcore_barrier()
        pltpu.sync_copy(acc_sh.at[pl.ds(r0, wb_rows)],
                        out_sum.at[cid, pl.ds(r0, wb_rows)])

    return sc_agg


def _tc_body(hd_ref, p_ref, dg_ref, w1_ref, w2_ref, b_ref, out_ref):
    s = p_ref[0] + p_ref[1]
    deg = jnp.sum(dg_ref[...], axis=0)[:, None]
    h_neigh = jnp.where(deg > 0.0, s / jnp.maximum(deg, 1.0), 0.0)
    out_ref[...] = (
        jnp.dot(hd_ref[...], w1_ref[...], preferred_element_type=jnp.float32)
        + jnp.dot(h_neigh, w2_ref[...], preferred_element_type=jnp.float32)
        + b_ref[...]
    )


def kernel(h_s, h_d, edge_index, W, b):
    src = edge_index[0].astype(jnp.int32)
    dst = edge_index[1].astype(jnp.int32)
    e = src.shape[0]
    tile_e = E_CHUNK * STAGE_CH * (
        (e + NW * E_CHUNK * STAGE_CH - 1) // (NW * E_CHUNK * STAGE_CH))
    e_pt = e // NW
    pad_pt = tile_e - e_pt
    dummy_src = jnp.broadcast_to(
        (jnp.arange(pad_pt, dtype=jnp.int32) % N_NODES)[None], (NW, pad_pt))
    dummy_dst = jnp.broadcast_to(
        (N_NODES + jnp.arange(pad_pt, dtype=jnp.int32) % (N_PAD - N_NODES))[None],
        (NW, pad_pt))
    src_p = jnp.concatenate(
        [src.reshape(NW, e_pt), dummy_src], axis=1).reshape(NW, -1, E_CHUNK)
    dst_p = jnp.concatenate(
        [dst.reshape(NW, e_pt), dummy_dst], axis=1).reshape(NW, -1, E_CHUNK)
    e_pad = NW * tile_e
    z_feat = jnp.zeros((N_PAD, D_FEAT), jnp.float32)
    z_deg = jnp.zeros((N_PAD,), jnp.float32)

    p, dg = _sc_aggregate(e_pad)(h_s, src_p, dst_p, z_feat, z_deg)

    w1t = W[:, :D_FEAT].T
    w2t = W[:, D_FEAT:].T
    b2 = b.reshape(1, D_OUT)

    n = h_d.shape[0]
    out = pl.pallas_call(
        _tc_body,
        grid=(N_PAD // BLK,),
        in_specs=[
            pl.BlockSpec((BLK, D_FEAT), lambda i: (i, 0)),
            pl.BlockSpec((NC, BLK, D_FEAT), lambda i: (0, i, 0)),
            pl.BlockSpec((NW, BLK), lambda i: (0, i)),
            pl.BlockSpec((D_FEAT, D_OUT), lambda i: (0, 0)),
            pl.BlockSpec((D_FEAT, D_OUT), lambda i: (0, 0)),
            pl.BlockSpec((1, D_OUT), lambda i: (0, 0)),
        ],
        out_specs=pl.BlockSpec((BLK, D_OUT), lambda i: (i, 0)),
        out_shape=jax.ShapeDtypeStruct((n, D_OUT), jnp.float32),
    )(h_d, p, dg, w1t, w2t, b2)
    return out

# --- scband reference (transcript-rebuilt; emitter-appended) ---
"""Pipeline reference for scband-sageconv-61735859912840 (READ-ONLY COPY).

The authoritative reference and input builder live on the scoring server;
editing this copy changes nothing except your own understanding.
"""

import jax, jax.numpy as jnp
import numpy as np

N_NODES = 10000
N_EDGES = 320000
D_FEAT = 128
D_OUT = 128

def setup_inputs(seed: int = 0) -> dict:
    key = jax.random.key(seed)
    k1, k2, k3, k4 = jax.random.split(key, 4)
    h_s = jax.random.normal(k1, (N_NODES, D_FEAT), dtype=jnp.float32)
    h_d = jax.random.normal(k2, (N_NODES, D_FEAT), dtype=jnp.float32)
    edge_index = jax.random.randint(k3, (2, N_EDGES), 0, N_NODES, dtype=jnp.int64)
    # nn.Linear(in_feat*2, out_feat): weight [out, in*2], bias [out]
    W = jax.random.normal(k4, (D_OUT, 2 * D_FEAT), dtype=jnp.float32) * (1.0 / np.sqrt(2 * D_FEAT))
    b = jnp.zeros((D_OUT,), dtype=jnp.float32)
    return {"h_s": h_s, "h_d": h_d, "edge_index": edge_index, "W": W, "b": b}

def reference(h_s, h_d, edge_index, W, b):
    src = edge_index[0]
    dst = edge_index[1]
    # copy_u('h','m'): gather source features per edge
    m = jnp.take(h_s, src, axis=0)
    # mean('m','h_neigh'): mean-aggregate messages onto dst nodes
    summed = jax.ops.segment_sum(m, dst, num_segments=N_NODES)
    deg = jax.ops.segment_sum(jnp.ones((m.shape[0],), dtype=h_s.dtype), dst, num_segments=N_NODES)
    h_neigh = jnp.where(deg[:, None] > 0, summed / jnp.maximum(deg, 1.0)[:, None], 0.0)
    # linear(cat([h_d, h_neigh], 1)); dropout is identity in eval mode
    cat = jnp.concatenate([h_d, h_neigh], axis=1)
    out = cat @ W.T + b
    return out

if __name__ == "__main__":
    import jax
    _d = setup_inputs()
    print(jax.jit(kernel)(*tuple(_d.values())))

</pallas_src>

<mosaic_0001>
#map = affine_map<(d0, d1) -> (0, 0)>
#map1 = affine_map<(d0, d1) -> (0, 0, 0)>
#map2 = affine_map<(d0, d1) -> (0)>
module attributes {stable_mosaic.version = 14 : i64} {
  func.func @sc_agg(%arg0: i32, %arg1: i32, %arg2: memref<10000x128xf32, #tpu.memory_space<hbm>>, %arg3: memref<32x80x128xi32, #tpu.memory_space<hbm>>, %arg4: memref<32x80x128xi32, #tpu.memory_space<hbm>>, %arg5: memref<10240x128xf32, #tpu.memory_space<hbm>>, %arg6: memref<10240xf32, #tpu.memory_space<hbm>>, %arg7: memref<2x10240x128xf32, #tpu.memory_space<hbm>>, %arg8: memref<32x10240xf32, #tpu.memory_space<hbm>>, %arg9: memref<16x128xi32, #tpu.memory_space<vmem>>, %arg10: memref<16x128xi32, #tpu.memory_space<vmem>>, %arg11: memref<128x128xf32, #tpu.memory_space<vmem>>, %arg12: memref<128x128xf32, #tpu.memory_space<vmem>>, %arg13: memref<10240xf32, #tpu.memory_space<vmem>>, %arg14: memref<10240x128xf32, #tpu.memory_space<vmem_shared>>, %arg15: memref<!tpu.dma_semaphore, #tpu.memory_space<semaphore_mem>>, %arg16: memref<!tpu.dma_semaphore, #tpu.memory_space<semaphore_mem>>, %arg17: memref<!tpu.dma_semaphore, #tpu.memory_space<semaphore_mem>>, %arg18: memref<!tpu.dma_semaphore, #tpu.memory_space<semaphore_mem>>) attributes {dimension_semantics = [#tpu.dimension_semantics<core_parallel>, #tpu.dimension_semantics<subcore_parallel>], iteration_bounds = array<i64: 2, 16>, scalar_prefetch = 0 : i64, scratch_operands = 10 : i64, tpu.core_type = #tpu.core_type<sc_vector_subcore>, window_params = [{transform_indices = #map}, {transform_indices = #map1}, {transform_indices = #map1}, {transform_indices = #map}, {transform_indices = #map2}, {transform_indices = #map1}, {transform_indices = #map}]} {
    %mul3A = arith.constant 16 : i32
    %mul3A_0 = arith.muli %arg0, %mul3A : i32
    %add3A = arith.addi %mul3A_0, %arg1 : i32
    "tpu.region"() ({
      %run_scoped3A = tpu.sem_alloc : memref<!tpu.dma_semaphore, #tpu.memory_space<semaphore_mem>>
      tpu.enqueue_dma source(%arg6 : memref<10240xf32, #tpu.memory_space<hbm>>) target(%arg13 : memref<10240xf32, #tpu.memory_space<vmem>>) target_semaphore(%run_scoped3A : memref<!tpu.dma_semaphore, #tpu.memory_space<semaphore_mem>>)
      tpu.wait_dma2 semaphore(%run_scoped3A : memref<!tpu.dma_semaphore, #tpu.memory_space<semaphore_mem>>) src(%arg6 : memref<10240xf32, #tpu.memory_space<hbm>>) dst(%arg13 : memref<10240xf32, #tpu.memory_space<vmem>>)
      tpu.yield
    }) : () -> ()
    %mul3A_1 = arith.constant 640 : i32
    %mul3A_2 = arith.muli %arg1, %mul3A_1 : i32
    "tpu.region"() ({
      %run_scoped3A = tpu.sem_alloc : memref<!tpu.dma_semaphore, #tpu.memory_space<semaphore_mem>>
      %dma_start3A = arith.constant 0 : i32
      %dma_start3A_10 = tpu.memref_slice %arg14[%mul3A_2, %dma_start3A] : memref<10240x128xf32, #tpu.memory_space<vmem_shared>> -> memref<640x128xf32, #tpu.memory_space<vmem_shared>>
      %dma_start3A_11 = arith.constant 0 : i32
      %dma_start3A_12 = tpu.memref_slice %arg5[%mul3A_2, %dma_start3A_11] : memref<10240x128xf32, #tpu.memory_space<hbm>> -> memref<640x128xf32, #tpu.memory_space<hbm>>
      tpu.enqueue_dma source(%dma_start3A_12 : memref<640x128xf32, #tpu.memory_space<hbm>>) target(%dma_start3A_10 : memref<640x128xf32, #tpu.memory_space<vmem_shared>>) target_semaphore(%run_scoped3A : memref<!tpu.dma_semaphore, #tpu.memory_space<semaphore_mem>>)
      %dma_wait3A = arith.constant 0 : i32
      %dma_wait3A_13 = tpu.memref_slice %arg14[%mul3A_2, %dma_wait3A] : memref<10240x128xf32, #tpu.memory_space<vmem_shared>> -> memref<640x128xf32, #tpu.memory_space<vmem_shared>>
      %dma_wait3A_14 = arith.constant 0 : i32
      %dma_wait3A_15 = tpu.memref_slice %arg5[%mul3A_2, %dma_wait3A_14] : memref<10240x128xf32, #tpu.memory_space<hbm>> -> memref<640x128xf32, #tpu.memory_space<hbm>>
      tpu.wait_dma2 semaphore(%run_scoped3A : memref<!tpu.dma_semaphore, #tpu.memory_space<semaphore_mem>>) src(%dma_wait3A_15 : memref<640x128xf32, #tpu.memory_space<hbm>>) dst(%dma_wait3A_13 : memref<640x128xf32, #tpu.memory_space<vmem_shared>>)
      tpu.yield
    }) : () -> ()
    %barrier3A = arith.constant 0 : index
    tpu.barrier barrier_id(%barrier3A)
    %broadcast_in_dim3A = arith.constant 1.000000e+00 : f32
    %broadcast_in_dim3A_3 = vector.broadcast %broadcast_in_dim3A : f32 to vector<16xf32>
    %scan3A = arith.constant 0 : i32
    %scan3A_4 = arith.constant 0 : i32
    %scan3A_5 = arith.constant 5 : i32
    %scan3A_6 = arith.addi %scan3A_4, %scan3A_5 : i32
    %scan3A_7 = arith.constant 1 : i32
    scf.for %scan3A_10 = %scan3A_4 to %scan3A_6 step %scan3A_7  : i32 {
      %mul3A_11 = arith.constant 16 : i32
      %mul3A_12 = arith.muli %scan3A_10, %mul3A_11 : i32
      "tpu.region"() ({
        %run_scoped3A = tpu.sem_alloc : memref<!tpu.dma_semaphore, #tpu.memory_space<semaphore_mem>>
        %dma_start3A_27 = arith.constant 0 : i32
        %dma_start3A_28 = tpu.memref_slice %arg3[%add3A, %mul3A_12, %dma_start3A_27] : memref<32x80x128xi32, #tpu.memory_space<hbm>> -> memref<1x16x128xi32, #tpu.memory_space<hbm>>
        %dma_start3A_29 = tpu.memref_squeeze %dma_start3A_28 : memref<1x16x128xi32, #tpu.memory_space<hbm>> -> memref<16x128xi32, #tpu.memory_space<hbm>>
        %dma_start3A_30 = arith.constant 0 : i32
        %dma_start3A_31 = tpu.memref_slice %arg3[%add3A, %mul3A_12, %dma_start3A_30] : memref<32x80x128xi32, #tpu.memory_space<hbm>> -> memref<1x16x128xi32, #tpu.memory_space<hbm>>
        %dma_start3A_32 = tpu.memref_squeeze %dma_start3A_31 : memref<1x16x128xi32, #tpu.memory_space<hbm>> -> memref<16x128xi32, #tpu.memory_space<hbm>>
        tpu.enqueue_dma source(%dma_start3A_32 : memref<16x128xi32, #tpu.memory_space<hbm>>) target(%arg9 : memref<16x128xi32, #tpu.memory_space<vmem>>) target_semaphore(%run_scoped3A : memref<!tpu.dma_semaphore, #tpu.memory_space<semaphore_mem>>)
        %dma_wait3A = arith.constant 0 : i32
        %dma_wait3A_33 = tpu.memref_slice %arg3[%add3A, %mul3A_12, %dma_wait3A] : memref<32x80x128xi32, #tpu.memory_space<hbm>> -> memref<1x16x128xi32, #tpu.memory_space<hbm>>
        %dma_wait3A_34 = tpu.memref_squeeze %dma_wait3A_33 : memref<1x16x128xi32, #tpu.memory_space<hbm>> -> memref<16x128xi32, #tpu.memory_space<hbm>>
        %dma_wait3A_35 = arith.constant 0 : i32
        %dma_wait3A_36 = tpu.memref_slice %arg3[%add3A, %mul3A_12, %dma_wait3A_35] : memref<32x80x128xi32, #tpu.memory_space<hbm>> -> memref<1x16x128xi32, #tpu.memory_space<hbm>>
        %dma_wait3A_37 = tpu.memref_squeeze %dma_wait3A_36 : memref<1x16x128xi32, #tpu.memory_space<hbm>> -> memref<16x128xi32, #tpu.memory_space<hbm>>
        tpu.wait_dma2 semaphore(%run_scoped3A : memref<!tpu.dma_semaphore, #tpu.memory_space<semaphore_mem>>) src(%dma_wait3A_37 : memref<16x128xi32, #tpu.memory_space<hbm>>) dst(%arg9 : memref<16x128xi32, #tpu.memory_space<vmem>>)
        tpu.yield
      }) : () -> ()
      %mul3A_13 = arith.constant 16 : i32
      %mul3A_14 = arith.muli %scan3A_10, %mul3A_13 : i32
      "tpu.region"() ({
        %run_scoped3A = tpu.sem_alloc : memref<!tpu.dma_semaphore, #tpu.memory_space<semaphore_mem>>
        %dma_start3A_27 = arith.constant 0 : i32
        %dma_start3A_28 = tpu.memref_slice %arg4[%add3A, %mul3A_14, %dma_start3A_27] : memref<32x80x128xi32, #tpu.memory_space<hbm>> -> memref<1x16x128xi32, #tpu.memory_space<hbm>>
        %dma_start3A_29 = tpu.memref_squeeze %dma_start3A_28 : memref<1x16x128xi32, #tpu.memory_space<hbm>> -> memref<16x128xi32, #tpu.memory_space<hbm>>
        %dma_start3A_30 = arith.constant 0 : i32
        %dma_start3A_31 = tpu.memref_slice %arg4[%add3A, %mul3A_14, %dma_start3A_30] : memref<32x80x128xi32, #tpu.memory_space<hbm>> -> memref<1x16x128xi32, #tpu.memory_space<hbm>>
        %dma_start3A_32 = tpu.memref_squeeze %dma_start3A_31 : memref<1x16x128xi32, #tpu.memory_space<hbm>> -> memref<16x128xi32, #tpu.memory_space<hbm>>
        tpu.enqueue_dma source(%dma_start3A_32 : memref<16x128xi32, #tpu.memory_space<hbm>>) target(%arg10 : memref<16x128xi32, #tpu.memory_space<vmem>>) target_semaphore(%run_scoped3A : memref<!tpu.dma_semaphore, #tpu.memory_space<semaphore_mem>>)
        %dma_wait3A = arith.constant 0 : i32
        %dma_wait3A_33 = tpu.memref_slice %arg4[%add3A, %mul3A_14, %dma_wait3A] : memref<32x80x128xi32, #tpu.memory_space<hbm>> -> memref<1x16x128xi32, #tpu.memory_space<hbm>>
        %dma_wait3A_34 = tpu.memref_squeeze %dma_wait3A_33 : memref<1x16x128xi32, #tpu.memory_space<hbm>> -> memref<16x128xi32, #tpu.memory_space<hbm>>
        %dma_wait3A_35 = arith.constant 0 : i32
        %dma_wait3A_36 = tpu.memref_slice %arg4[%add3A, %mul3A_14, %dma_wait3A_35] : memref<32x80x128xi32, #tpu.memory_space<hbm>> -> memref<1x16x128xi32, #tpu.memory_space<hbm>>
        %dma_wait3A_37 = tpu.memref_squeeze %dma_wait3A_36 : memref<1x16x128xi32, #tpu.memory_space<hbm>> -> memref<16x128xi32, #tpu.memory_space<hbm>>
        tpu.wait_dma2 semaphore(%run_scoped3A : memref<!tpu.dma_semaphore, #tpu.memory_space<semaphore_mem>>) src(%dma_wait3A_37 : memref<16x128xi32, #tpu.memory_space<hbm>>) dst(%arg10 : memref<16x128xi32, #tpu.memory_space<vmem>>)
        tpu.yield
      }) : () -> ()
      %dma_start3A = arith.constant 0 : i32
      %dma_start3A_15 = arith.constant 0 : i32
      %dma_start3A_16 = tpu.memref_slice %arg9[%dma_start3A, %dma_start3A_15] : memref<16x128xi32, #tpu.memory_space<vmem>> -> memref<1x128xi32, #tpu.memory_space<vmem>>
      %dma_start3A_17 = tpu.memref_squeeze %dma_start3A_16 : memref<1x128xi32, #tpu.memory_space<vmem>> -> memref<128xi32, #tpu.memory_space<vmem>>
      %dma_start3A_18 = arith.constant 0 : i32
      %dma_start3A_19 = arith.constant 0 : i32
      %dma_start3A_20 = tpu.memref_slice %arg2[%dma_start3A_18, %dma_start3A_19] : memref<10000x128xf32, #tpu.memory_space<hbm>> -> memref<10000x128xf32, #tpu.memory_space<hbm>>
      tpu.enqueue_indirect_dma source(%dma_start3A_20 : memref<10000x128xf32, #tpu.memory_space<hbm>>) target(%arg11 : memref<128x128xf32, #tpu.memory_space<vmem>>) offsets(%dma_start3A_17 : memref<128xi32, #tpu.memory_space<vmem>>) semaphore(%arg15 : memref<!tpu.dma_semaphore, #tpu.memory_space<semaphore_mem>>)
      %scan3A_21 = arith.constant 0 : i32
      %scan3A_22 = arith.constant 0 : i32
      %scan3A_23 = arith.constant 8 : i32
      %scan3A_24 = arith.addi %scan3A_22, %scan3A_23 : i32
      %scan3A_25 = arith.constant 1 : i32
      scf.for %scan3A_27 = %scan3A_22 to %scan3A_24 step %scan3A_25  : i32 {
        %mul3A_28 = arith.constant 2 : i32
        %mul3A_29 = arith.muli %mul3A_28, %scan3A_27 : i32
        %add3A_30 = arith.constant 1 : i32
        %add3A_31 = arith.addi %mul3A_29, %add3A_30 : i32
        %dma_start3A_32 = arith.constant 0 : i32
        %dma_start3A_33 = tpu.memref_slice %arg9[%add3A_31, %dma_start3A_32] : memref<16x128xi32, #tpu.memory_space<vmem>> -> memref<1x128xi32, #tpu.memory_space<vmem>>
        %dma_start3A_34 = tpu.memref_squeeze %dma_start3A_33 : memref<1x128xi32, #tpu.memory_space<vmem>> -> memref<128xi32, #tpu.memory_space<vmem>>
        %dma_start3A_35 = arith.constant 0 : i32
        %dma_start3A_36 = arith.constant 0 : i32
        %dma_start3A_37 = tpu.memref_slice %arg2[%dma_start3A_35, %dma_start3A_36] : memref<10000x128xf32, #tpu.memory_space<hbm>> -> memref<10000x128xf32, #tpu.memory_space<hbm>>
        tpu.enqueue_indirect_dma source(%dma_start3A_37 : memref<10000x128xf32, #tpu.memory_space<hbm>>) target(%arg12 : memref<128x128xf32, #tpu.memory_space<vmem>>) offsets(%dma_start3A_34 : memref<128xi32, #tpu.memory_space<vmem>>) semaphore(%arg16 : memref<!tpu.dma_semaphore, #tpu.memory_space<semaphore_mem>>)
        %dma_wait3A = arith.constant 0 : i32
        %dma_wait3A_38 = arith.constant 0 : i32
        %dma_wait3A_39 = tpu.memref_slice %arg9[%dma_wait3A, %dma_wait3A_38] : memref<16x128xi32, #tpu.memory_space<vmem>> -> memref<1x128xi32, #tpu.memory_space<vmem>>
        %dma_wait3A_40 = tpu.memref_squeeze %dma_wait3A_39 : memref<1x128xi32, #tpu.memory_space<vmem>> -> memref<128xi32, #tpu.memory_space<vmem>>
        %dma_wait3A_41 = arith.constant 0 : i32
        %dma_wait3A_42 = arith.constant 0 : i32
        %dma_wait3A_43 = tpu.memref_slice %arg2[%dma_wait3A_41, %dma_wait3A_42] : memref<10000x128xf32, #tpu.memory_space<hbm>> -> memref<10000x128xf32, #tpu.memory_space<hbm>>
        tpu.wait_indirect_dma semaphore(%arg15 : memref<!tpu.dma_semaphore, #tpu.memory_space<semaphore_mem>>) src(%dma_wait3A_43 : memref<10000x128xf32, #tpu.memory_space<hbm>>) dst(%arg11 : memref<128x128xf32, #tpu.memory_space<vmem>>)
        %dma_start3A_44 = arith.constant 0 : i32
        %dma_start3A_45 = tpu.memref_slice %arg10[%mul3A_29, %dma_start3A_44] : memref<16x128xi32, #tpu.memory_space<vmem>> -> memref<1x128xi32, #tpu.memory_space<vmem>>
        %dma_start3A_46 = tpu.memref_squeeze %dma_start3A_45 : memref<1x128xi32, #tpu.memory_space<vmem>> -> memref<128xi32, #tpu.memory_space<vmem>>
        %dma_start3A_47 = arith.constant 0 : i32
        %dma_start3A_48 = arith.constant 0 : i32
        %dma_start3A_49 = tpu.memref_slice %arg14[%dma_start3A_47, %dma_start3A_48] : memref<10240x128xf32, #tpu.memory_space<vmem_shared>> -> memref<10240x128xf32, #tpu.memory_space<vmem_shared>>
        tpu.enqueue_indirect_dma source(%arg11 : memref<128x128xf32, #tpu.memory_space<vmem>>) target(%dma_start3A_49 : memref<10240x128xf32, #tpu.memory_space<vmem_shared>>) offsets(%dma_start3A_46 : memref<128xi32, #tpu.memory_space<vmem>>) semaphore(%arg17 : memref<!tpu.dma_semaphore, #tpu.memory_space<semaphore_mem>>) {add = true}
        %get3A = arith.index_cast %mul3A_29 : i32 to index
        %get3A_50 = arith.constant 0 : index
        %get3A_51 = tpu.vector_load %arg10[%get3A, %get3A_50] {strides = array<i32>} : memref<16x128xi32, #tpu.memory_space<vmem>>, vector<16xi32>,
        tpu.vector_store_idx %arg13[%get3A_51], %broadcast_in_dim3A_3 {add = true} : memref<10240xf32, #tpu.memory_space<vmem>>[vector<16xi32>], vector<16xf32>,
        %get3A_52 = arith.index_cast %mul3A_29 : i32 to index
        %get3A_53 = arith.constant 16 : index
        %get3A_54 = tpu.vector_load %arg10[%get3A_52, %get3A_53] {strides = array<i32>} : memref<16x128xi32, #tpu.memory_space<vmem>>, vector<16xi32>,
        tpu.vector_store_idx %arg13[%get3A_54], %broadcast_in_dim3A_3 {add = true} : memref<10240xf32, #tpu.memory_space<vmem>>[vector<16xi32>], vector<16xf32>,
        %get3A_55 = arith.index_cast %mul3A_29 : i32 to index
        %get3A_56 = arith.constant 32 : index
        %get3A_57 = tpu.vector_load %arg10[%get3A_55, %get3A_56] {strides = array<i32>} : memref<16x128xi32, #tpu.memory_space<vmem>>, vector<16xi32>,
        tpu.vector_store_idx %arg13[%get3A_57], %broadcast_in_dim3A_3 {add = true} : memref<10240xf32, #tpu.memory_space<vmem>>[vector<16xi32>], vector<16xf32>,
        %get3A_58 = arith.index_cast %mul3A_29 : i32 to index
        %get3A_59 = arith.constant 48 : index
        %get3A_60 = tpu.vector_load %arg10[%get3A_58, %get3A_59] {strides = array<i32>} : memref<16x128xi32, #tpu.memory_space<vmem>>, vector<16xi32>,
        tpu.vector_store_idx %arg13[%get3A_60], %broadcast_in_dim3A_3 {add = true} : memref<10240xf32, #tpu.memory_space<vmem>>[vector<16xi32>], vector<16xf32>,
        %get3A_61 = arith.index_cast %mul3A_29 : i32 to index
        %get3A_62 = arith.constant 64 : index
        %get3A_63 = tpu.vector_load %arg10[%get3A_61, %get3A_62] {strides = array<i32>} : memref<16x128xi32, #tpu.memory_space<vmem>>, vector<16xi32>,
        tpu.vector_store_idx %arg13[%get3A_63], %broadcast_in_dim3A_3 {add = true} : memref<10240xf32, #tpu.memory_space<vmem>>[vector<16xi32>], vector<16xf32>,
        %get3A_64 = arith.index_cast %mul3A_29 : i32 to index
        %get3A_65 = arith.constant 80 : index
        %get3A_66 = tpu.vector_load %arg10[%get3A_64, %get3A_65] {strides = array<i32>} : memref<16x128xi32, #tpu.memory_space<vmem>>, vector<16xi32>,
        tpu.vector_store_idx %arg13[%get3A_66], %broadcast_in_dim3A_3 {add = true} : memref<10240xf32, #tpu.memory_space<vmem>>[vector<16xi32>], vector<16xf32>,
        %get3A_67 = arith.index_cast %mul3A_29 : i32 to index
        %get3A_68 = arith.constant 96 : index
        %get3A_69 = tpu.vector_load %arg10[%get3A_67, %get3A_68] {strides = array<i32>} : memref<16x128xi32, #tpu.memory_space<vmem>>, vector<16xi32>,
        tpu.vector_store_idx %arg13[%get3A_69], %broadcast_in_dim3A_3 {add = true} : memref<10240xf32, #tpu.memory_space<vmem>>[vector<16xi32>], vector<16xf32>,
        %get3A_70 = arith.index_cast %mul3A_29 : i32 to index
        %get3A_71 = arith.constant 112 : index
        %get3A_72 = tpu.vector_load %arg10[%get3A_70, %get3A_71] {strides = array<i32>} : memref<16x128xi32, #tpu.memory_space<vmem>>, vector<16xi32>,
        tpu.vector_store_idx %arg13[%get3A_72], %broadcast_in_dim3A_3 {add = true} : memref<10240xf32, #tpu.memory_space<vmem>>[vector<16xi32>], vector<16xf32>,
        %dma_wait3A_73 = arith.constant 0 : i32
        %dma_wait3A_74 = tpu.memref_slice %arg10[%mul3A_29, %dma_wait3A_73] : memref<16x128xi32, #tpu.memory_space<vmem>> -> memref<1x128xi32, #tpu.memory_space<vmem>>
        %dma_wait3A_75 = tpu.memref_squeeze %dma_wait3A_74 : memref<1x128xi32, #tpu.memory_space<vmem>> -> memref<128xi32, #tpu.memory_space<vmem>>
        %dma_wait3A_76 = arith.constant 0 : i32
        %dma_wait3A_77 = arith.constant 0 : i32
        %dma_wait3A_78 = tpu.memref_slice %arg14[%dma_wait3A_76, %dma_wait3A_77] : memref<10240x128xf32, #tpu.memory_space<vmem_shared>> -> memref<10240x128xf32, #tpu.memory_space<vmem_shared>>
        tpu.wait_indirect_dma semaphore(%arg17 : memref<!tpu.dma_semaphore, #tpu.memory_space<semaphore_mem>>) src(%arg11 : memref<128x128xf32, #tpu.memory_space<vmem>>) dst(%dma_wait3A_78 : memref<10240x128xf32, #tpu.memory_space<vmem_shared>>)
        %lt3A = arith.constant 7 : i32
        %lt3A_79 = arith.cmpi slt, %scan3A_27, %lt3A : i32
        %convert_element_type3A = arith.extui %lt3A_79 : i1 to i32
        %cond3A = arith.constant 0 : i32
        %cond3A_80 = arith.cmpi ne, %convert_element_type3A, %cond3A : i32
        scf.if %cond3A_80 {
          %add3A_124 = arith.constant 2 : i32
          %add3A_125 = arith.addi %mul3A_29, %add3A_124 : i32
          %dma_start3A_126 = arith.constant 0 : i32
          %dma_start3A_127 = tpu.memref_slice %arg9[%add3A_125, %dma_start3A_126] : memref<16x128xi32, #tpu.memory_space<vmem>> -> memref<1x128xi32, #tpu.memory_space<vmem>>
          %dma_start3A_128 = tpu.memref_squeeze %dma_start3A_127 : memref<1x128xi32, #tpu.memory_space<vmem>> -> memref<128xi32, #tpu.memory_space<vmem>>
          %dma_start3A_129 = arith.constant 0 : i32
          %dma_start3A_130 = arith.constant 0 : i32
          %dma_start3A_131 = tpu.memref_slice %arg2[%dma_start3A_129, %dma_start3A_130] : memref<10000x128xf32, #tpu.memory_space<hbm>> -> memref<10000x128xf32, #tpu.memory_space<hbm>>
          tpu.enqueue_indirect_dma source(%dma_start3A_131 : memref<10000x128xf32, #tpu.memory_space<hbm>>) target(%arg11 : memref<128x128xf32, #tpu.memory_space<vmem>>) offsets(%dma_start3A_128 : memref<128xi32, #tpu.memory_space<vmem>>) semaphore(%arg15 : memref<!tpu.dma_semaphore, #tpu.memory_space<semaphore_mem>>)
        } else {
        }
        %dma_wait3A_81 = arith.constant 0 : i32
        %dma_wait3A_82 = arith.constant 0 : i32
        %dma_wait3A_83 = tpu.memref_slice %arg9[%dma_wait3A_81, %dma_wait3A_82] : memref<16x128xi32, #tpu.memory_space<vmem>> -> memref<1x128xi32, #tpu.memory_space<vmem>>
        %dma_wait3A_84 = tpu.memref_squeeze %dma_wait3A_83 : memref<1x128xi32, #tpu.memory_space<vmem>> -> memref<128xi32, #tpu.memory_space<vmem>>
        %dma_wait3A_85 = arith.constant 0 : i32
        %dma_wait3A_86 = arith.constant 0 : i32
        %dma_wait3A_87 = tpu.memref_slice %arg2[%dma_wait3A_85, %dma_wait3A_86] : memref<10000x128xf32, #tpu.memory_space<hbm>> -> memref<10000x128xf32, #tpu.memory_space<hbm>>
        tpu.wait_indirect_dma semaphore(%arg16 : memref<!tpu.dma_semaphore, #tpu.memory_space<semaphore_mem>>) src(%dma_wait3A_87 : memref<10000x128xf32, #tpu.memory_space<hbm>>) dst(%arg12 : memref<128x128xf32, #tpu.memory_space<vmem>>)
        %dma_start3A_88 = arith.constant 0 : i32
        %dma_start3A_89 = tpu.memref_slice %arg10[%add3A_31, %dma_start3A_88] : memref<16x128xi32, #tpu.memory_space<vmem>> -> memref<1x128xi32, #tpu.memory_space<vmem>>
        %dma_start3A_90 = tpu.memref_squeeze %dma_start3A_89 : memref<1x128xi32, #tpu.memory_space<vmem>> -> memref<128xi32, #tpu.memory_space<vmem>>
        %dma_start3A_91 = arith.constant 0 : i32
        %dma_start3A_92 = arith.constant 0 : i32
        %dma_start3A_93 = tpu.memref_slice %arg14[%dma_start3A_91, %dma_start3A_92] : memref<10240x128xf32, #tpu.memory_space<vmem_shared>> -> memref<10240x128xf32, #tpu.memory_space<vmem_shared>>
        tpu.enqueue_indirect_dma source(%arg12 : memref<128x128xf32, #tpu.memory_space<vmem>>) target(%dma_start3A_93 : memref<10240x128xf32, #tpu.memory_space<vmem_shared>>) offsets(%dma_start3A_90 : memref<128xi32, #tpu.memory_space<vmem>>) semaphore(%arg18 : memref<!tpu.dma_semaphore, #tpu.memory_space<semaphore_mem>>) {add = true}
        %get3A_94 = arith.index_cast %add3A_31 : i32 to index
        %get3A_95 = arith.constant 0 : index
        %get3A_96 = tpu.vector_load %arg10[%get3A_94, %get3A_95] {strides = array<i32>} : memref<16x128xi32, #tpu.memory_space<vmem>>, vector<16xi32>,
        tpu.vector_store_idx %arg13[%get3A_96], %broadcast_in_dim3A_3 {add = true} : memref<10240xf32, #tpu.memory_space<vmem>>[vector<16xi32>], vector<16xf32>,
        %get3A_97 = arith.index_cast %add3A_31 : i32 to index
        %get3A_98 = arith.constant 16 : index
        %get3A_99 = tpu.vector_load %arg10[%get3A_97, %get3A_98] {strides = array<i32>} : memref<16x128xi32, #tpu.memory_space<vmem>>, vector<16xi32>,
        tpu.vector_store_idx %arg13[%get3A_99], %broadcast_in_dim3A_3 {add = true} : memref<10240xf32, #tpu.memory_space<vmem>>[vector<16xi32>], vector<16xf32>,
        %get3A_100 = arith.index_cast %add3A_31 : i32 to index
        %get3A_101 = arith.constant 32 : index
        %get3A_102 = tpu.vector_load %arg10[%get3A_100, %get3A_101] {strides = array<i32>} : memref<16x128xi32, #tpu.memory_space<vmem>>, vector<16xi32>,
        tpu.vector_store_idx %arg13[%get3A_102], %broadcast_in_dim3A_3 {add = true} : memref<10240xf32, #tpu.memory_space<vmem>>[vector<16xi32>], vector<16xf32>,
        %get3A_103 = arith.index_cast %add3A_31 : i32 to index
        %get3A_104 = arith.constant 48 : index
        %get3A_105 = tpu.vector_load %arg10[%get3A_103, %get3A_104] {strides = array<i32>} : memref<16x128xi32, #tpu.memory_space<vmem>>, vector<16xi32>,
        tpu.vector_store_idx %arg13[%get3A_105], %broadcast_in_dim3A_3 {add = true} : memref<10240xf32, #tpu.memory_space<vmem>>[vector<16xi32>], vector<16xf32>,
        %get3A_106 = arith.index_cast %add3A_31 : i32 to index
        %get3A_107 = arith.constant 64 : index
        %get3A_108 = tpu.vector_load %arg10[%get3A_106, %get3A_107] {strides = array<i32>} : memref<16x128xi32, #tpu.memory_space<vmem>>, vector<16xi32>,
        tpu.vector_store_idx %arg13[%get3A_108], %broadcast_in_dim3A_3 {add = true} : memref<10240xf32, #tpu.memory_space<vmem>>[vector<16xi32>], vector<16xf32>,
        %get3A_109 = arith.index_cast %add3A_31 : i32 to index
        %get3A_110 = arith.constant 80 : index
        %get3A_111 = tpu.vector_load %arg10[%get3A_109, %get3A_110] {strides = array<i32>} : memref<16x128xi32, #tpu.memory_space<vmem>>, vector<16xi32>,
        tpu.vector_store_idx %arg13[%get3A_111], %broadcast_in_dim3A_3 {add = true} : memref<10240xf32, #tpu.memory_space<vmem>>[vector<16xi32>], vector<16xf32>,
        %get3A_112 = arith.index_cast %add3A_31 : i32 to index
        %get3A_113 = arith.constant 96 : index
        %get3A_114 = tpu.vector_load %arg10[%get3A_112, %get3A_113] {strides = array<i32>} : memref<16x128xi32, #tpu.memory_space<vmem>>, vector<16xi32>,
        tpu.vector_store_idx %arg13[%get3A_114], %broadcast_in_dim3A_3 {add = true} : memref<10240xf32, #tpu.memory_space<vmem>>[vector<16xi32>], vector<16xf32>,
        %get3A_115 = arith.index_cast %add3A_31 : i32 to index
        %get3A_116 = arith.constant 112 : index
        %get3A_117 = tpu.vector_load %arg10[%get3A_115, %get3A_116] {strides = array<i32>} : memref<16x128xi32, #tpu.memory_space<vmem>>, vector<16xi32>,
        tpu.vector_store_idx %arg13[%get3A_117], %broadcast_in_dim3A_3 {add = true} : memref<10240xf32, #tpu.memory_space<vmem>>[vector<16xi32>], vector<16xf32>,
        %dma_wait3A_118 = arith.constant 0 : i32
        %dma_wait3A_119 = tpu.memref_slice %arg10[%add3A_31, %dma_wait3A_118] : memref<16x128xi32, #tpu.memory_space<vmem>> -> memref<1x128xi32, #tpu.memory_space<vmem>>
        %dma_wait3A_120 = tpu.memref_squeeze %dma_wait3A_119 : memref<1x128xi32, #tpu.memory_space<vmem>> -> memref<128xi32, #tpu.memory_space<vmem>>
        %dma_wait3A_121 = arith.constant 0 : i32
        %dma_wait3A_122 = arith.constant 0 : i32
        %dma_wait3A_123 = tpu.memref_slice %arg14[%dma_wait3A_121, %dma_wait3A_122] : memref<10240x128xf32, #tpu.memory_space<vmem_shared>> -> memref<10240x128xf32, #tpu.memory_space<vmem_shared>>
        tpu.wait_indirect_dma semaphore(%arg18 : memref<!tpu.dma_semaphore, #tpu.memory_space<semaphore_mem>>) src(%arg12 : memref<128x128xf32, #tpu.memory_space<vmem>>) dst(%dma_wait3A_123 : memref<10240x128xf32, #tpu.memory_space<vmem_shared>>)
      }
      %scan3A_26 = arith.constant 8 : i32
    }
    %scan3A_8 = arith.constant 5 : i32
    "tpu.region"() ({
      %run_scoped3A = tpu.sem_alloc : memref<!tpu.dma_semaphore, #tpu.memory_space<semaphore_mem>>
      %dma_start3A = arith.constant 0 : i32
      %dma_start3A_10 = tpu.memref_slice %arg8[%add3A, %dma_start3A] : memref<32x10240xf32, #tpu.memory_space<hbm>> -> memref<1x10240xf32, #tpu.memory_space<hbm>>
      %dma_start3A_11 = tpu.memref_squeeze %dma_start3A_10 : memref<1x10240xf32, #tpu.memory_space<hbm>> -> memref<10240xf32, #tpu.memory_space<hbm>>
      %dma_start3A_12 = arith.constant 0 : i32
      %dma_start3A_13 = tpu.memref_slice %arg8[%add3A, %dma_start3A_12] : memref<32x10240xf32, #tpu.memory_space<hbm>> -> memref<1x10240xf32, #tpu.memory_space<hbm>>
      %dma_start3A_14 = tpu.memref_squeeze %dma_start3A_13 : memref<1x10240xf32, #tpu.memory_space<hbm>> -> memref<10240xf32, #tpu.memory_space<hbm>>
      tpu.enqueue_dma source(%arg13 : memref<10240xf32, #tpu.memory_space<vmem>>) target(%dma_start3A_14 : memref<10240xf32, #tpu.memory_space<hbm>>) target_semaphore(%run_scoped3A : memref<!tpu.dma_semaphore, #tpu.memory_space<semaphore_mem>>)
      %dma_wait3A = arith.constant 0 : i32
      %dma_wait3A_15 = tpu.memref_slice %arg8[%add3A, %dma_wait3A] : memref<32x10240xf32, #tpu.memory_space<hbm>> -> memref<1x10240xf32, #tpu.memory_space<hbm>>
      %dma_wait3A_16 = tpu.memref_squeeze %dma_wait3A_15 : memref<1x10240xf32, #tpu.memory_space<hbm>> -> memref<10240xf32, #tpu.memory_space<hbm>>
      %dma_wait3A_17 = arith.constant 0 : i32
      %dma_wait3A_18 = tpu.memref_slice %arg8[%add3A, %dma_wait3A_17] : memref<32x10240xf32, #tpu.memory_space<hbm>> -> memref<1x10240xf32, #tpu.memory_space<hbm>>
      %dma_wait3A_19 = tpu.memref_squeeze %dma_wait3A_18 : memref<1x10240xf32, #tpu.memory_space<hbm>> -> memref<10240xf32, #tpu.memory_space<hbm>>
      tpu.wait_dma2 semaphore(%run_scoped3A : memref<!tpu.dma_semaphore, #tpu.memory_space<semaphore_mem>>) src(%arg13 : memref<10240xf32, #tpu.memory_space<vmem>>) dst(%dma_wait3A_19 : memref<10240xf32, #tpu.memory_space<hbm>>)
      tpu.yield
    }) : () -> ()
    %barrier3A_9 = arith.constant 0 : index
    tpu.barrier barrier_id(%barrier3A_9)
    "tpu.region"() ({
      %run_scoped3A = tpu.sem_alloc : memref<!tpu.dma_semaphore, #tpu.memory_space<semaphore_mem>>
      %dma_start3A = arith.constant 0 : i32
      %dma_start3A_10 = tpu.memref_slice %arg7[%arg0, %mul3A_2, %dma_start3A] : memref<2x10240x128xf32, #tpu.memory_space<hbm>> -> memref<1x640x128xf32, #tpu.memory_space<hbm>>
      %dma_start3A_11 = tpu.memref_squeeze %dma_start3A_10 : memref<1x640x128xf32, #tpu.memory_space<hbm>> -> memref<640x128xf32, #tpu.memory_space<hbm>>
      %dma_start3A_12 = arith.constant 0 : i32
      %dma_start3A_13 = tpu.memref_slice %arg14[%mul3A_2, %dma_start3A_12] : memref<10240x128xf32, #tpu.memory_space<vmem_shared>> -> memref<640x128xf32, #tpu.memory_space<vmem_shared>>
      tpu.enqueue_dma source(%dma_start3A_13 : memref<640x128xf32, #tpu.memory_space<vmem_shared>>) target(%dma_start3A_11 : memref<640x128xf32, #tpu.memory_space<hbm>>) target_semaphore(%run_scoped3A : memref<!tpu.dma_semaphore, #tpu.memory_space<semaphore_mem>>)
      %dma_wait3A = arith.constant 0 : i32
      %dma_wait3A_14 = tpu.memref_slice %arg7[%arg0, %mul3A_2, %dma_wait3A] : memref<2x10240x128xf32, #tpu.memory_space<hbm>> -> memref<1x640x128xf32, #tpu.memory_space<hbm>>
      %dma_wait3A_15 = tpu.memref_squeeze %dma_wait3A_14 : memref<1x640x128xf32, #tpu.memory_space<hbm>> -> memref<640x128xf32, #tpu.memory_space<hbm>>
      %dma_wait3A_16 = arith.constant 0 : i32
      %dma_wait3A_17 = tpu.memref_slice %arg14[%mul3A_2, %dma_wait3A_16] : memref<10240x128xf32, #tpu.memory_space<vmem_shared>> -> memref<640x128xf32, #tpu.memory_space<vmem_shared>>
      tpu.wait_dma2 semaphore(%run_scoped3A : memref<!tpu.dma_semaphore, #tpu.memory_space<semaphore_mem>>) src(%dma_wait3A_17 : memref<640x128xf32, #tpu.memory_space<vmem_shared>>) dst(%dma_wait3A_15 : memref<640x128xf32, #tpu.memory_space<hbm>>)
      tpu.yield
    }) : () -> ()
    return
  }
}

module attributes {stable_mosaic.version = 14 : i64} {
  func.func @_tc_body(%arg0: i32, %arg1: memref<2048x128xf32, #tpu.memory_space<vmem>>, %arg2: memref<2x2048x128xf32, #tpu.memory_space<vmem>>, %arg3: memref<32x2048xf32, #tpu.memory_space<vmem>>, %arg4: memref<128x128xf32, #tpu.memory_space<vmem>>, %arg5: memref<128x128xf32, #tpu.memory_space<vmem>>, %arg6: memref<1x128xf32, #tpu.memory_space<vmem>>, %arg7: memref<2048x128xf32, #tpu.memory_space<vmem>>) attributes {dimension_semantics = [#tpu.dimension_semantics<arbitrary>], iteration_bounds = array<i64: 5>, scalar_prefetch = 0 : i64, scratch_operands = 0 : i64, tpu.core_type = #tpu.core_type<tc>, window_params = [{transform_indices = @transform_0, window_bounds = array<i64: 2048, 128>}, {transform_indices = @transform_1, window_bounds = array<i64: 2, 2048, 128>}, {transform_indices = @transform_2, window_bounds = array<i64: 32, 2048>}, {pipeline_mode = #tpu.pipeline_mode<synchronous>, transform_indices = @transform_3, window_bounds = array<i64: 128, 128>}, {pipeline_mode = #tpu.pipeline_mode<synchronous>, transform_indices = @transform_4, window_bounds = array<i64: 128, 128>}, {pipeline_mode = #tpu.pipeline_mode<synchronous>, transform_indices = @transform_5, window_bounds = array<i64: 1, 128>}, {transform_indices = @transform_6, window_bounds = array<i64: 2048, 128>}]} {
    %get3A = arith.constant 0 : index
    %get3A_0 = arith.constant 0 : index
    %get3A_1 = arith.constant 0 : index
    %get3A_2 = vector.load %arg2[%get3A, %get3A_0, %get3A_1] : memref<2x2048x128xf32, #tpu.memory_space<vmem>>, vector<1x2048x128xf32>
    %get3A_3 = vector.shape_cast %get3A_2 : vector<1x2048x128xf32> to vector<2048x128xf32>
    %get3A_4 = arith.constant 1 : index
    %get3A_5 = arith.constant 0 : index
    %get3A_6 = arith.constant 0 : index
    %get3A_7 = vector.load %arg2[%get3A_4, %get3A_5, %get3A_6] : memref<2x2048x128xf32, #tpu.memory_space<vmem>>, vector<1x2048x128xf32>
    %get3A_8 = vector.shape_cast %get3A_7 : vector<1x2048x128xf32> to vector<2048x128xf32>
    %add3A = arith.addf %get3A_3, %get3A_8 : vector<2048x128xf32>
    %get3A_9 = arith.constant 0 : index
    %get3A_10 = arith.constant 0 : index
    %get3A_11 = vector.load %arg3[%get3A_9, %get3A_10] : memref<32x2048xf32, #tpu.memory_space<vmem>>, vector<32x2048xf32>
    %reduce_sum3A = arith.constant dense<0.000000e+00> : vector<2048xf32>
    %reduce_sum3A_12 = vector.multi_reduction <add>, %get3A_11, %reduce_sum3A [0] : vector<32x2048xf32> to vector<2048xf32>
    %broadcast_in_dim3A = vector.shape_cast %reduce_sum3A_12 : vector<2048xf32> to vector<2048x1xf32>
    %gt3A = arith.constant 0.000000e+00 : f32
    %gt3A_13 = vector.broadcast %gt3A : f32 to vector<2048x1xf32>
    %gt3A_14 = arith.cmpf ogt, %broadcast_in_dim3A, %gt3A_13 : vector<2048x1xf32>
    %max3A = arith.constant 1.000000e+00 : f32
    %max3A_15 = vector.broadcast %max3A : f32 to vector<2048x1xf32>
    %max3A_16 = arith.maximumf %broadcast_in_dim3A, %max3A_15 : vector<2048x1xf32>
    %div3A = vector.broadcast %max3A_16 : vector<2048x1xf32> to vector<2048x128xf32>
    %div3A_17 = arith.divf %add3A, %div3A : vector<2048x128xf32>
    %jit3A = arith.constant 0.000000e+00 : f32
    %broadcast_in_dim3A_18 = vector.shape_cast %gt3A_14 : vector<2048x1xi1> to vector<2048x1xi1>
    %broadcast_in_dim3A_19 = vector.broadcast %broadcast_in_dim3A_18 : vector<2048x1xi1> to vector<2048x128xi1>
    %broadcast_in_dim3A_20 = vector.broadcast %jit3A : f32 to vector<2048x128xf32>
    %select_n3A = arith.select %broadcast_in_dim3A_19, %div3A_17, %broadcast_in_dim3A_20 : vector<2048x128xi1>, vector<2048x128xf32>
    %get3A_21 = arith.constant 0 : index
    %get3A_22 = arith.constant 0 : index
    %get3A_23 = vector.load %arg1[%get3A_21, %get3A_22] : memref<2048x128xf32, #tpu.memory_space<vmem>>, vector<2048x128xf32>
    %get3A_24 = arith.constant 0 : index
    %get3A_25 = arith.constant 0 : index
    %get3A_26 = vector.load %arg4[%get3A_24, %get3A_25] : memref<128x128xf32, #tpu.memory_space<vmem>>, vector<128x128xf32>
    %dot_general3A = arith.constant dense<0.000000e+00> : vector<2048x128xf32>
    %dot_general3A_27 = tpu.matmul %get3A_23, %get3A_26, %dot_general3A {dimension_numbers = #tpu.dot_dimension_numbers<[1], [0], [0], [1], [0, 0, 1, 1], [], []>, transpose_lhs_hint = false} : vector<2048x128xf32>, vector<128x128xf32>, vector<2048x128xf32> -> vector<2048x128xf32>
    %get3A_28 = arith.constant 0 : index
    %get3A_29 = arith.constant 0 : index
    %get3A_30 = vector.load %arg5[%get3A_28, %get3A_29] : memref<128x128xf32, #tpu.memory_space<vmem>>, vector<128x128xf32>
    %dot_general3A_31 = arith.constant dense<0.000000e+00> : vector<2048x128xf32>
    %dot_general3A_32 = tpu.matmul %select_n3A, %get3A_30, %dot_general3A_31 {dimension_numbers = #tpu.dot_dimension_numbers<[1], [0], [0], [1], [0, 0, 1, 1], [], []>, transpose_lhs_hint = false} : vector<2048x128xf32>, vector<128x128xf32>, vector<2048x128xf32> -> vector<2048x128xf32>
    %add3A_33 = arith.addf %dot_general3A_27, %dot_general3A_32 : vector<2048x128xf32>
    %get3A_34 = arith.constant 0 : index
    %get3A_35 = arith.constant 0 : index
    %get3A_36 = vector.load %arg6[%get3A_34, %get3A_35] : memref<1x128xf32, #tpu.memory_space<vmem>>, vector<1x128xf32>
    %add3A_37 = vector.broadcast %get3A_36 : vector<1x128xf32> to vector<2048x128xf32>
    %add3A_38 = arith.addf %add3A_33, %add3A_37 : vector<2048x128xf32>
    %swap3A = arith.constant 0 : index
    %swap3A_39 = arith.constant 0 : index
    %swap3A_40 = vector.load %arg7[%swap3A, %swap3A_39] : memref<2048x128xf32, #tpu.memory_space<vmem>>, vector<2048x128xf32>
    tpu.vector_store %arg7[%swap3A, %swap3A_39], %add3A_38 {strides = array<i32>} : memref<2048x128xf32, #tpu.memory_space<vmem>>, vector<2048x128xf32>,
    return
  }
  func.func @transform_0(%arg0: i32) -> (i32, i32) {
    %c0_i32 = arith.constant 0 : i32
    %c0_i32_0 = arith.constant 0 : i32
    return %arg0, %c0_i32 : i32, i32
  }
  func.func @transform_1(%arg0: i32) -> (i32, i32, i32) {
    %c0_i32 = arith.constant 0 : i32
    %c0_i32_0 = arith.constant 0 : i32
    %c0_i32_1 = arith.constant 0 : i32
    return %c0_i32, %arg0, %c0_i32_0 : i32, i32, i32
  }
  func.func @transform_2(%arg0: i32) -> (i32, i32) {
    %c0_i32 = arith.constant 0 : i32
    %c0_i32_0 = arith.constant 0 : i32
    return %c0_i32, %arg0 : i32, i32
  }
  func.func @transform_3(%arg0: i32) -> (i32, i32) {
    %c0_i32 = arith.constant 0 : i32
    %c0_i32_0 = arith.constant 0 : i32
    %c0_i32_1 = arith.constant 0 : i32
    return %c0_i32, %c0_i32_0 : i32, i32
  }
  func.func @transform_4(%arg0: i32) -> (i32, i32) {
    %c0_i32 = arith.constant 0 : i32
    %c0_i32_0 = arith.constant 0 : i32
    %c0_i32_1 = arith.constant 0 : i32
    return %c0_i32, %c0_i32_0 : i32, i32
  }
  func.func @transform_5(%arg0: i32) -> (i32, i32) {
    %c0_i32 = arith.constant 0 : i32
    %c0_i32_0 = arith.constant 0 : i32
    %c0_i32_1 = arith.constant 0 : i32
    return %c0_i32, %c0_i32_0 : i32, i32
  }
  func.func @transform_6(%arg0: i32) -> (i32, i32) {
    %c0_i32 = arith.constant 0 : i32
    %c0_i32_0 = arith.constant 0 : i32
    return %arg0, %c0_i32 : i32, i32
  }
}

</mosaic_0001>

<sc_bundles>
// kernel: kernel.4.cloned.1.call-start
scs
__scs_entry_jumppad:
0x0: {  	(pc) =	sbr.rel $0x88, $3  }
0x1: {  	(tag) =	ssettag $0x0;
	lr =	simm.s32 $0x1  }
0x2: {  	[smem:$0x3F9C] =	sst lr;
	_ =	strace $0xD0000000  }
0x3: {  	_ = 	snop  }
0x4: {  	_ = 	snop  }
0x5: {  	_ = 	snop  }
0x6: {  	_ = 	snop  }
0x7: {  	_ = 	snop  }
__scs_overlays_trampoline_lowered:
0x8: {  	[smem:$0x3FAB] =	sst s0  }
0x9: {  	[smem:$0x3FAC] =	sst s1  }
0xa: {  	[smem:$0x3FAD] =	sst s2  }
0xb: {  	[smem:$0x3FAE] =	sst s3  }
0xc: {  	[smem:$0x3FAF] =	sst s4  }
0xd: {  	[smem:$0x3FB0] =	sst s5  }
0xe: {  	[smem:$0x3FB1] =	sst s6  }
0xf: {  	[smem:$0x3FB2] =	sst s7  }
0x10: {  	[smem:$0x3FB3] =	sst s8  }
0x11: {  	[smem:$0x3FB4] =	sst s9;
	s0 =	simm.s32 @!p0 $0x0  }
0x12: {  	s1 =	sld [smem:$0x3F9A];
	s0 =	simm.s32 @p0 $0x1  }
0x13: {  	[smem:$0x3FB5] =	sst s0;
	s0 =	simm.s32 @!p1 $0x0  }
0x14: {  	s2 =	sld [smem:$0x3F99];
	s0 =	simm.s32 @p1 $0x1  }
0x15: {  	[smem:$0x3FB6] =	sst s0;
	s0 =	simm.s32 @!p2 $0x0  }
0x16: {  	s3 =	sld [smem:$0x3FDB];
	s0 =	simm.s32 @p2 $0x1  }
0x17: {  	s4 =	simm.s32 $0x1BF5;
	[smem:$0x3FB8] =	sst s0  }
0x18: {  	s0 =	sld [smem:$0x3F9B];
	_ =	swait.ge [sflag:s4], $0x0  }
0x19: {  	s7 =	sld [smem:$0x3F9C]  }
0x1a: {  	s8 =	sadd.s32 $0xFFFFE003, lr  }
0x1b: {  	s9 =	sadd.s32 $0xFFFFFEF7, lr;
	s5 =	simm.s32 $0xFFFFFFFF;
	p2 =	slt.u32 s8, $0xFFFFF086  }
0x1c: {  	p1 =	slt.u32 s9, $0xF7A;
	s5 =	simm.s32 @!p2 $0x0  }
0x1d: {  	s5 =	simm.s32 @p1 $0x1;
	p0 =	seq.s32 s7, s2  }
0x1e: {  	s7 =	smul.u32 @!p0 $0xF7A, s2;
	p2 =	seq.s32 @!p0 s5, $0x0  }
0x1f: {  	s9 =	smul.u32 $0xF7A, s1;
	s8 =	simm.s32 @!p0 $0x1BF5;
	p2 =	por !p2, p0  }
0x20: {  	[sflag:s8] =	ssyncset.s32 @!p0 $0xFFFFF086;
	s6 =	sadd.s32 @!p0 s3, s7;
	s7 =	simm.s32 @!p0 $0x108  }
0x21: {  	s3 =	sadd.s32 s3, s9;
	s6 =	sadd.s32 @!p0 $0x88, s6;
	s7 =	simm.s32 @p2 $0x1082  }
0x22: {  	[simem:s7], [sflag:s8] =	dma.local @!p0 [hbm:s6], $0xF7A  }
0x23: {  	s9 =	sor.u32 $0xD0000000, s2;
	s6 =	simm.s32 $0x108;
	_ =	swait.ge @!p0 [sflag:s8], $0x0  }
0x24: {  	s3 =	sadd.s32 $0x88, s3;
	s6 =	simm.s32 @!p1 $0x1082;
	[sflag:s4] =	ssyncset.s32 $0xFFFFF086  }
0x25: {  	[simem:s6], [sflag:s4] =	dma.local [hbm:s3], $0xF7A  }
0x26: {  	[smem:$0x3F9C] =	sst s1;
	(tag) =	ssettag s2;
	_ =	strace s9  }
0x27: {  	s1 =	sld [smem:$0x3FAC]  }
0x28: {  	s2 =	sld [smem:$0x3FAD]  }
0x29: {  	s4 =	sld [smem:$0x3FAF]  }
0x2a: {  	p0 =	seq.s32 s5, $0x0;
	s5 =	sld [smem:$0x3FB0]  }
0x2b: {  	s6 =	sld [smem:$0x3FB1]  }
0x2c: {  	s7 =	sld [smem:$0x3FB2]  }
0x2d: {  	s3 =	simm.s32 $0x108;
	s8 =	sld [smem:$0x3FB3]  }
0x2e: {  	s3 =	simm.s32 @!p0 $0x1082;
	s9 =	sld [smem:$0x3FB4]  }
0x2f: {  	lr =	sadd.s32 s0, s3;
	s0 =	sld [smem:$0x3FAB]  }
0x30: {  	s3 =	sld [smem:$0x3FAE]  }
0x31: {  	[smem:$0x3FB7] =	sst s10  }
0x32: {  	s10 =	sld [smem:$0x3FB5];
	_ =	sdelay $0x3  }
0x33: {  	p0 =	seq.s32 s10, $0x1;
	s10 =	sld [smem:$0x3FB7];
	_ =	sdelay $0x3  }
0x34: {  	[smem:$0x3FB7] =	sst s10  }
0x35: {  	s10 =	sld [smem:$0x3FB6];
	_ =	sdelay $0x3  }
0x36: {  	p1 =	seq.s32 s10, $0x1;
	s10 =	sld [smem:$0x3FB7];
	_ =	sdelay $0x3  }
0x37: {  	[smem:$0x3FB7] =	sst s10  }
0x38: {  	s10 =	sld [smem:$0x3FB8]  }
0x39: {  	_ = 	snop;
	(pc) =	sbr.ind lr, $3  }
0x3a: {  	_ = 	snop  }
0x3b: {  	_ = 	snop  }
0x3c: {  	p2 =	seq.s32 s10, $0x1;
	s10 =	sld [smem:$0x3FB7]  }
0x3d: {  	_ =	shalt  }
0x3e: {  	_ =	shalt  }
0x3f: {  	_ =	shalt  }
0x40: {  	_ =	shalt  }
0x41: {  	_ =	shalt  }
0x42: {  	_ =	shalt  }
0x43: {  	_ =	shalt  }
0x44: {  	_ =	shalt  }
0x45: {  	_ =	shalt  }
0x46: {  	_ =	shalt  }
0x47: {  	_ =	shalt  }
0x48: {  	_ =	shalt  }
0x49: {  	_ =	shalt  }
0x4a: {  	_ =	shalt  }
0x4b: {  	_ =	shalt  }
0x4c: {  	_ =	shalt  }
0x4d: {  	_ =	shalt  }
0x4e: {  	_ =	shalt  }
0x4f: {  	_ =	shalt  }
0x50: {  	_ =	shalt  }
0x51: {  	_ =	shalt  }
0x52: {  	_ =	shalt  }
0x53: {  	_ =	shalt  }
0x54: {  	_ =	shalt  }
0x55: {  	_ =	shalt  }
0x56: {  	_ =	shalt  }
0x57: {  	_ =	shalt  }
0x58: {  	_ =	shalt  }
0x59: {  	_ =	shalt  }
0x5a: {  	_ =	shalt  }
0x5b: {  	_ =	shalt  }
0x5c: {  	_ =	shalt  }
0x5d: {  	_ =	shalt  }
0x5e: {  	_ =	shalt  }
0x5f: {  	_ =	shalt  }
0x60: {  	_ =	shalt  }
0x61: {  	_ =	shalt  }
0x62: {  	_ =	shalt  }
0x63: {  	_ =	shalt  }
0x64: {  	_ =	shalt  }
0x65: {  	_ =	shalt  }
0x66: {  	_ =	shalt  }
0x67: {  	_ =	shalt  }
0x68: {  	_ =	shalt  }
0x69: {  	_ =	shalt  }
0x6a: {  	_ =	shalt  }
0x6b: {  	_ =	shalt  }
0x6c: {  	_ =	shalt  }
0x6d: {  	_ =	shalt  }
0x6e: {  	_ =	shalt  }
0x6f: {  	_ =	shalt  }
0x70: {  	_ =	shalt  }
0x71: {  	_ =	shalt  }
0x72: {  	_ =	shalt  }
0x73: {  	_ =	shalt  }
0x74: {  	_ =	shalt  }
0x75: {  	_ =	shalt  }
0x76: {  	_ =	shalt  }
0x77: {  	_ =	shalt  }
0x78: {  	_ =	shalt  }
0x79: {  	_ =	shalt  }
0x7a: {  	_ =	shalt  }
0x7b: {  	_ =	shalt  }
0x7c: {  	_ =	shalt  }
0x7d: {  	_ =	shalt  }
0x7e: {  	_ =	shalt  }
0x7f: {  	_ =	shalt  }
0x80: {  	_ =	shalt  }
0x81: {  	_ =	shalt  }
0x82: {  	_ =	shalt  }
0x83: {  	_ =	shalt  }
0x84: {  	_ =	shalt  }
0x85: {  	_ =	shalt  }
0x86: {  	_ =	shalt  }
0x87: {  	_ =	shalt  }
.Lfunc_end0:
.L_simem_size_0:
called_computation_lowered:
.L_overlay_start_0:
0x88: {  	s2 =	sld [smem:$0x3FD9]  }
0x89: {  	s3 =	sld [smem:$0x3FFE];
	_ =	sdelay $0x1  }
0x8a: {  	s1 =	srdreg.scid  }
0x8b: {  	s0 =	sand.u32 $0x1, s1  }
0x8c: {  	s17 =	sshll.u32 s0, $0xA;
	s2 =	sadd.s32 s3, s2  }
0x8d: {  	s2 =	sadd.s32 s2, s17  }
0x8e: {  	[smem:$0x3FC3] =	sst s2  }
0x8f: {  	_ = 	snop  }
0x90: {  	s2 =	sld [smem:$0x3FC9]  }
0x91: {  	s18 =	sld [smem:$0x3FD0];
	(tm) =	ssettm $0x1  }
0x92: {  	s4 =	sld [smem:$0x3FFB];
	_ =	sdelay $0x3  }
0x93: {  	_ =	strace s4  }
0x94: {  	s4 =	sld [smem:$0x3FFC];
	_ =	sdelay $0x3  }
0x95: {  	_ =	strace s4  }
0x96: {  	s4 =	sld [smem:$0x3FFD];
	_ =	sdelay $0x3  }
0x97: {  	_ =	strace s4  }
0x98: {  	_ =	strace $0x8FFFFFFF  }
0x99: {  	s19 =	sld [smem:$0x3FDB];
	_ =	sdelay $0x1  }
0x9a: {  	s5 =	simm.s32 $_scs_section_size  }
0x9b: {  	s6 =	simm.s32 $_size__tile_overlayer_lowered;
	s7 =	simm.s32 $_tile_overlayer_lowered  }
0x9c: {  	s22 =	simm.s32 $0x1BFF;
	s21 =	sshll.u32 s7, $0x1;
	s4 =	sadd.s32 s5, s19  }
0x9d: {  	s8 =	simm.s32 $0x0;
	s20 =	sshll.u32 s6, $0x1;
	s6 =	sadd.s32 s21, s4  }
0x9e: {  	[timem:s8], [sflag:s22] =	dma.local [hbm:s6], s20  }
0x9f: {  	_ =	swait.ge [sflag:s22], s20  }
0xa0: {  	s5 =	ssub.s32 $0x0, s20;
	[sflag:s22] =	ssyncset.done $0x0  }
0xa1: {  	[sflag:s22] =	ssyncadd.s32 s5;
	_ =	sdelay $0x1  }
0xa2: {  	s23 =	simm.s32 $0x1B8B  }
0xa3: {  	_ =	swait.ge [sflag:s23], $0x1  }
0xa4: {  	[sflag:s23] =	ssyncset.done $0x0  }
0xa5: {  	s25 =	simm.s32 $0x1B8E;
	s24 =	sld [smem:$0x3FFE];
	[sflag:s23] =	ssyncadd.s32 $0xFFFFFFFF  }
0xa6: {  	s26 =	simm.s32 $execute0_lowered;
	[smem:$0x3FD2] =	sst s25  }
0xa7: {  	s6 =	sshll.u32 s26, $0x1;
	_ =	strace $0x80000046;
	[dreg:$0x1] =	wrdreg $0xFFFFFFFF  }
0xa8: {  	s28 =	simm.s32 $_size_execute0_lowered;
	s4 =	sadd.s32 s4, s6;
	[dreg:$0x0] =	wrdreg $0x0  }
0xa9: {  	s6 =	sshll.u32 s28, $0x1;
	[dreg:$0x2] =	wrdreg s4  }
0xaa: {  	[dreg:$0x3] =	wrdreg s6  }
0xab: {  	[dreg:$0x4] =	wrdreg $0xC0  }
0xac: {  	_ =	task [dreg:s8], $0x5FFFF  }
0xad: {  	[dreg:$0x1] =	wrdreg $0xFFFFFFFF  }
0xae: {  	[dreg:$0x0] =	wrdreg $0x60  }
0xaf: {  	[dreg:$0x2] =	wrdreg s2  }
0xb0: {  	[dreg:$0x3] =	wrdreg s18  }
0xb1: {  	[dreg:$0x4] =	wrdreg s24  }
0xb2: {  	[dreg:$0x5] =	wrdreg $0xB8000  }
0xb3: {  	[dreg:$0x6] =	wrdreg $0x9  }
0xb4: {  	_ =	task.clear_ibuf [dreg:s8], $0x7FFFF;
	_ =	strace $0x90000046  }
0xb5: {  	s29 =	simm.s32 $0x9;
	_ =	strace $0x80000048  }
0xb6: {  	_ =	swait.ge [sflag:s29], $0x1  }
0xb7: {  	[sflag:s29] =	ssyncadd.s32 $0xFFFFFFFF  }
0xb8: {  	_ =	strace $0x90000048  }
0xb9: {  	_ =	sfence  }
0xba: {  	s30 =	sld [smem:$0x0];
	_ =	sdelay $0x2  }
0xbb: {  	s31 =	sshll.u32 s1, $0xD;
	s1 =	sshrl.u32 s1, $0x2  }
0xbc: {  	s3 =	sand.u32 $0x4000, s31;
	s1 =	sadd.s32 s1, s30  }
0xbd: {  	s0 =	sor.u32 s3, s0;
	s1 =	sshll.u32 s1, $0x11  }
0xbe: {  	s0 =	sor.u32 s1, s0  }
0xbf: {  	s0 =	sadd.s32 $0x8F2B, s0  }
0xc0: {  	[sflag:s0] =	ssyncadd.remote.s32 $0x1  }
0xc1: {  	_ =	sfence.sel $0xFFFF  }
0xc2: {  	[dreg:$0x0] =	wrdreg $0xFFFFFFFF;
	(pc) =	sbr.abs _section_cstart, $3  }
0xc3: {  	[dreg:$0x1] =	wrdreg $0xFFFFFFFF  }
0xc4: {  	_ =	task.clear_ibuf [dreg:s8], $0x2FFFF;
	_ =	strace $0x9FFFFFFF  }
0xc5: {  	(tm) =	ssettm $0x7FFFFFFF  }
tec
execute0_lowered:
.L_overlay_start_1:
0x0: {  	(tag) =	ssettag $0x1  }
0x1: {  	s1 =	rddreg [dreg:$0x0]  }
0x2: {  	s2 =	rddreg [dreg:$0x1]  }
0x3: {  	s0 =	rddreg [dreg:$0x2]  }
0x4: {  	s4 =	rddreg [dreg:$0x3];
	s5 =	simm.s32 $0x0;
	s3 =	stileid.u32  }
0x5: {  	s6 =	srdreg.scid;
	s17 =	simm.s32 $0x800;
	s18 =	simm.s32 $0x80  }
0x6: {  	s19 =	simm.s32 $0x1000;
	s20 =	simm.s32 $0x5000;
	s21 =	simm.s32 $0x1  }
0x7: {  	s22 =	simm.s32 $0x3;
	s28 =	simm.s32 $0xF80;
	s29 =	simm.s32 $0x400  }
0x8: {  	s30 =	simm.s32 $0x0;
	[smem:$0x7FF] =	sst s5;
	s7 =	smul.u32 $0x14000, s3  }
0x9: {  	s8 =	sand.u32 $0x1, s6;
	s13 =	sshll.u32 s3, $0x7;
	s23 =	smul.u32 $0x50000, s3  }
0xa: {  	s31 =	sshll.u32 s3, $0x6;
	_ =	strace $0x80000047;
	s6 =	sshll.u32 s8, $0x4  }
0xb: {  	s10 =	smul.u32 $0x140000, s8;
	s13 =	sand.u32 $0x380, s13;
	s8 =	ssub.s32 $0x2, s8  }
0xc: {  	s15 =	sor.u32 $0x1C05, s31;
	s9 =	sshrl.u32 s7, $0x3;
	s11 =	sor.u32 s3, s6  }
0xd: {  	s6 =	sadd.s32 $0x1200, s0;
	s25 =	sshrl.u32 s8, $0x1;
	s26 =	sshrl.u32 s23, $0x2  }
0xe: {  	s23 =	simm.s32 $0x2;
	s9 =	sadd.s32 s9, s0;
	s12 =	sshrl.u32 s11, $0x3  }
0xf: {  	s10 =	sadd.s32 s7, s10;
	s7 =	sadd.s32 $0x33200, s0;
	s12 =	smul.u32 $0x14000, s12  }
0x10: {  	s16 =	sadd.s32 s26, s4;
	s26 =	simm.s32 $0xF00;
	s10 =	sshrl.u32 s10, $0x3  }
0x11: {  	s16 =	sshrl.u32 s16, $0x3;
	s14 =	sadd.s32 s10, s0;
	s12 =	sor.u32 s13, s12  }
0x12: {  	s13 =	simm.s32 $0x9000;
	s24 =	sshrl.u32 s12, $0x3;
	s12 =	ssub.s32 s8, s25  }
0x13: {  	s8 =	sadd.s32 $0xB200, s9;
	s9 =	smul.u32 $0x2800, s11;
	s11 =	sadd.s32 $0x33800, s14  }
0x14: {  	s14 =	simm.s32 $0x5;
	s25 =	simm.s32 $0x780;
	s0 =	sadd.s32 s24, s0  }
0x15: {  	v0 =	vimm.f32 $1.000000000e+00;
	s12 =	smax.u32 s12, $0x1;
	s24 =	simm.s32 $0x4;
	s10 =	sadd.s32 $0x83800, s0  }
.LBB2_1:
0x16: {  	s0 =	simm.s32 $0x0  }
0x17: {  	[tilespmem:s13], [sflag:$0x5] =	stream.linear.gather [hbm4b:s7+s0], $0x2800, $0x38;
	[tilespmem:$0x1F800] =	vst v63  }
0x18: {  	_ =	swait.ge [sflag:s14], $0x2800  }
0x19: {  	[sflag:s14] =	ssyncset.done $0x0  }
0x1a: {  	[sflag:s14] =	ssyncadd.s32 $0xFFFFD800  }
0x1b: {  	[spmem:s16], [sflag:s15] =	dma.local [hbm:s8], $0x2800  }
0x1c: {  	_ =	swait.ge [sflag:s14], $0x2800  }
0x1d: {  	[sflag:s14] =	ssyncset.done $0x0  }
0x1e: {  	[sflag:s14] =	ssyncadd.s32 $0xFFFFD800  }
0x1f: {  	s31 =	simm.s32 $0x0;
	[bflag:$0x0] =	sbarrier.arrive $0xFFFF  }
.LBB2_2:
0x20: {  	s0 =	sshll.u32 s31, $0xB  }
0x21: {  	s0 =	sadd.s32 s9, s0  }
0x22: {  	s3 =	sshrl.u32 s0, $0x3  }
0x23: {  	s0 =	simm.s32 $0x0;
	s5 =	sadd.s32 s2, s3  }
0x24: {  	[tilespmem:s0], [sflag:$0x5] =	stream.linear.gather [hbm4b:s5+s0], $0x800, $0x38;
	[tilespmem:$0x1F800] =	vst v63  }
0x25: {  	_ =	swait.ge [sflag:s14], $0x800  }
0x26: {  	[sflag:s14] =	ssyncset.done $0x0  }
0x27: {  	s3 =	sadd.s32 s6, s3;
	[sflag:s14] =	ssyncadd.s32 $0xFFFFF800  }
0x28: {  	[tilespmem:s17], [sflag:$0x5] =	stream.linear.gather [hbm4b:s3+s0], $0x800, $0x38;
	[tilespmem:$0x1F800] =	vst v63  }
0x29: {  	_ =	swait.ge [sflag:s14], $0x800  }
0x2a: {  	[sflag:s14] =	ssyncset.done $0x0  }
0x2b: {  	[sflag:s14] =	ssyncadd.s32 $0xFFFFF800  }
0x2c: {  	[tilespmem:s19], [sflag:$0x1] =	stream.indirect.gather [hbm4b:s1+s18], $0x80, s0, s18, $0xb8;
	[tilespmem:$0x1F800] =	vst v63  }
.LBB2_3:
0x2d: {  	s3 =	sshra.s32 s0, $0x2  }
0x2e: {  	s5 =	sadd.s32 $0x80, s3  }
0x2f: {  	[tilespmem:s20], [sflag:$0x2] =	stream.indirect.gather [hbm4b:s1+s18], $0x80, s5, s18, $0xb8;
	[tilespmem:$0x1F800] =	vst v63  }
0x30: {  	_ =	swait.ge [sflag:s21], $0x4000  }
0x31: {  	[sflag:s21] =	ssyncset.done $0x0  }
0x32: {  	s5 =	sadd.s32 $0x800, s3;
	[sflag:s21] =	ssyncadd.s32 $0xFFFFC000  }
0x33: {  	[spmem:s4] =	stream.indirect.scatter.add.f32 [tilespmem:s19], [sflag:$0x3], $0x80, s5, s18, $0xb8;
	[tilespmem:$0x1F800] =	vst v63  }
0x34: {  	v1 =	vld [tilespmem:s3+$0x800];
	_ =	sdelay $0x7  }
0x35: {  	[tilespmem:v1+s13+$0x0] =	vst.idx.add.f32.msk $0xffff, v0  }
0x36: {  	v1 =	vld [tilespmem:s3+$0x810];
	_ =	sdelay $0x7  }
0x37: {  	[tilespmem:v1+s13+$0x0] =	vst.idx.add.f32.msk $0xffff, v0  }
0x38: {  	v1 =	vld [tilespmem:s3+$0x820];
	_ =	sdelay $0x7  }
0x39: {  	[tilespmem:v1+s13+$0x0] =	vst.idx.add.f32.msk $0xffff, v0  }
0x3a: {  	v1 =	vld [tilespmem:s3+$0x830];
	_ =	sdelay $0x7  }
0x3b: {  	[tilespmem:v1+s13+$0x0] =	vst.idx.add.f32.msk $0xffff, v0  }
0x3c: {  	v1 =	vld [tilespmem:s3+$0x840];
	_ =	sdelay $0x7  }
0x3d: {  	[tilespmem:v1+s13+$0x0] =	vst.idx.add.f32.msk $0xffff, v0  }
0x3e: {  	v1 =	vld [tilespmem:s3+$0x850];
	_ =	sdelay $0x7  }
0x3f: {  	[tilespmem:v1+s13+$0x0] =	vst.idx.add.f32.msk $0xffff, v0  }
0x40: {  	v1 =	vld [tilespmem:s3+$0x860];
	_ =	sdelay $0x7  }
0x41: {  	[tilespmem:v1+s13+$0x0] =	vst.idx.add.f32.msk $0xffff, v0  }
0x42: {  	v1 =	vld [tilespmem:s3+$0x870];
	_ =	sdelay $0x7  }
0x43: {  	[tilespmem:v1+s13+$0x0] =	vst.idx.add.f32.msk $0xffff, v0  }
0x44: {  	_ =	swait.ge [sflag:s22], $0x4000  }
0x45: {  	[sflag:s22] =	ssyncset.done $0x0  }
0x46: {  	s5 =	sadd.s32 $0x100, s3;
	[sflag:s22] =	ssyncadd.s32 $0xFFFFC000  }
0x47: {  	[tilespmem:s19], [sflag:$0x1] =	stream.indirect.gather [hbm4b:s1+s18], $0x80, s5, s18, $0xb8;
	[tilespmem:$0x1F800] =	vst v63  }
0x48: {  	_ =	swait.ge [sflag:s23], $0x4000  }
0x49: {  	[sflag:s23] =	ssyncset.done $0x0  }
0x4a: {  	s5 =	sadd.s32 $0x880, s3;
	[sflag:s23] =	ssyncadd.s32 $0xFFFFC000  }
0x4b: {  	[spmem:s4] =	stream.indirect.scatter.add.f32 [tilespmem:s20], [sflag:$0x4], $0x80, s5, s18, $0xb8;
	[tilespmem:$0x1F800] =	vst v63  }
0x4c: {  	v1 =	vld [tilespmem:s3+$0x880];
	_ =	sdelay $0x7  }
0x4d: {  	[tilespmem:v1+s13+$0x0] =	vst.idx.add.f32.msk $0xffff, v0  }
0x4e: {  	v1 =	vld [tilespmem:s3+$0x890];
	_ =	sdelay $0x7  }
0x4f: {  	[tilespmem:v1+s13+$0x0] =	vst.idx.add.f32.msk $0xffff, v0  }
0x50: {  	v1 =	vld [tilespmem:s3+$0x8A0];
	_ =	sdelay $0x7  }
0x51: {  	[tilespmem:v1+s13+$0x0] =	vst.idx.add.f32.msk $0xffff, v0  }
0x52: {  	v1 =	vld [tilespmem:s3+$0x8B0];
	_ =	sdelay $0x7  }
0x53: {  	[tilespmem:v1+s13+$0x0] =	vst.idx.add.f32.msk $0xffff, v0  }
0x54: {  	v1 =	vld [tilespmem:s3+$0x8C0];
	_ =	sdelay $0x7  }
0x55: {  	[tilespmem:v1+s13+$0x0] =	vst.idx.add.f32.msk $0xffff, v0  }
0x56: {  	v1 =	vld [tilespmem:s3+$0x8D0];
	_ =	sdelay $0x7  }
0x57: {  	[tilespmem:v1+s13+$0x0] =	vst.idx.add.f32.msk $0xffff, v0  }
0x58: {  	v1 =	vld [tilespmem:s3+$0x8E0];
	_ =	sdelay $0x7  }
0x59: {  	[tilespmem:v1+s13+$0x0] =	vst.idx.add.f32.msk $0xffff, v0  }
0x5a: {  	v1 =	vld [tilespmem:s3+$0x8F0];
	_ =	sdelay $0x5  }
0x5b: {  	p0 =	sne.s32 s0, $0x1800  }
.Ltmp0:
0x5c: {  	_ = 	snop;
	(pc) =	sbr.rel @p0 .LBB2_3-.Ltmp0, $4  }
0x5d: {  	[tilespmem:v1+s13+$0x0] =	vst.idx.add.f32.msk $0xffff, v0  }
0x5e: {  	_ =	swait.ge [sflag:s24], $0x4000  }
0x5f: {  	[sflag:s24] =	ssyncset.done $0x0  }
0x60: {  	s0 =	sadd.s32 $0x400, s0;
	[sflag:s24] =	ssyncadd.s32 $0xFFFFC000  }
0x61: {  	[tilespmem:s20], [sflag:$0x2] =	stream.indirect.gather [hbm4b:s1+s18], $0x80, s25, s18, $0xb8;
	[tilespmem:$0x1F800] =	vst v63  }
0x62: {  	_ =	swait.ge [sflag:s21], $0x4000  }
0x63: {  	[sflag:s21] =	ssyncset.done $0x0  }
0x64: {  	[sflag:s21] =	ssyncadd.s32 $0xFFFFC000  }
0x65: {  	[spmem:s4] =	stream.indirect.scatter.add.f32 [tilespmem:s19], [sflag:$0x3], $0x80, s26, s18, $0xb8;
	[tilespmem:$0x1F800] =	vst v63  }
0x66: {  	v1 =	vld [tilespmem:$0xF00];
	_ =	sdelay $0x7  }
0x67: {  	[tilespmem:v1+s13+$0x0] =	vst.idx.add.f32.msk $0xffff, v0  }
0x68: {  	v1 =	vld [tilespmem:$0xF10];
	_ =	sdelay $0x7  }
0x69: {  	[tilespmem:v1+s13+$0x0] =	vst.idx.add.f32.msk $0xffff, v0  }
0x6a: {  	v1 =	vld [tilespmem:$0xF20];
	_ =	sdelay $0x7  }
0x6b: {  	[tilespmem:v1+s13+$0x0] =	vst.idx.add.f32.msk $0xffff, v0  }
0x6c: {  	v1 =	vld [tilespmem:$0xF30];
	_ =	sdelay $0x7  }
0x6d: {  	[tilespmem:v1+s13+$0x0] =	vst.idx.add.f32.msk $0xffff, v0  }
0x6e: {  	v1 =	vld [tilespmem:$0xF40];
	_ =	sdelay $0x7  }
0x6f: {  	[tilespmem:v1+s13+$0x0] =	vst.idx.add.f32.msk $0xffff, v0  }
0x70: {  	v1 =	vld [tilespmem:$0xF50];
	_ =	sdelay $0x7  }
0x71: {  	[tilespmem:v1+s13+$0x0] =	vst.idx.add.f32.msk $0xffff, v0  }
0x72: {  	v1 =	vld [tilespmem:$0xF60];
	_ =	sdelay $0x7  }
0x73: {  	[tilespmem:v1+s13+$0x0] =	vst.idx.add.f32.msk $0xffff, v0  }
0x74: {  	v1 =	vld [tilespmem:$0xF70];
	_ =	sdelay $0x7  }
0x75: {  	[tilespmem:v1+s13+$0x0] =	vst.idx.add.f32.msk $0xffff, v0  }
0x76: {  	_ =	swait.ge [sflag:s22], $0x4000  }
0x77: {  	[sflag:s22] =	ssyncset.done $0x0  }
0x78: {  	[sflag:s22] =	ssyncadd.s32 $0xFFFFC000  }
0x79: {  	_ =	swait.ge [sflag:s23], $0x4000  }
0x7a: {  	[sflag:s23] =	ssyncset.done $0x0  }
0x7b: {  	[sflag:s23] =	ssyncadd.s32 $0xFFFFC000  }
0x7c: {  	[spmem:s4] =	stream.indirect.scatter.add.f32 [tilespmem:s20], [sflag:$0x4], $0x80, s28, s18, $0xb8;
	[tilespmem:$0x1F800] =	vst v63  }
0x7d: {  	v1 =	vld [tilespmem:$0xF80];
	_ =	sdelay $0x7  }
0x7e: {  	[tilespmem:v1+s13+$0x0] =	vst.idx.add.f32.msk $0xffff, v0  }
0x7f: {  	v1 =	vld [tilespmem:$0xF90];
	_ =	sdelay $0x7  }
0x80: {  	[tilespmem:v1+s13+$0x0] =	vst.idx.add.f32.msk $0xffff, v0  }
0x81: {  	v1 =	vld [tilespmem:$0xFA0];
	_ =	sdelay $0x7  }
0x82: {  	[tilespmem:v1+s13+$0x0] =	vst.idx.add.f32.msk $0xffff, v0  }
0x83: {  	v1 =	vld [tilespmem:$0xFB0];
	_ =	sdelay $0x7  }
0x84: {  	[tilespmem:v1+s13+$0x0] =	vst.idx.add.f32.msk $0xffff, v0  }
0x85: {  	v1 =	vld [tilespmem:$0xFC0];
	_ =	sdelay $0x7  }
0x86: {  	[tilespmem:v1+s13+$0x0] =	vst.idx.add.f32.msk $0xffff, v0  }
0x87: {  	v1 =	vld [tilespmem:$0xFD0];
	_ =	sdelay $0x7  }
0x88: {  	[tilespmem:v1+s13+$0x0] =	vst.idx.add.f32.msk $0xffff, v0  }
0x89: {  	v1 =	vld [tilespmem:$0xFE0];
	_ =	sdelay $0x7  }
0x8a: {  	[tilespmem:v1+s13+$0x0] =	vst.idx.add.f32.msk $0xffff, v0  }
0x8b: {  	v1 =	vld [tilespmem:$0xFF0];
	_ =	sdelay $0x4  }
0x8c: {  	s31 =	sadd.s32 $0x1, s31  }
0x8d: {  	p0 =	sne.s32 s31, $0x5  }
.Ltmp1:
0x8e: {  	_ = 	snop;
	(pc) =	sbr.rel @p0 .LBB2_2-.Ltmp1, $4  }
0x8f: {  	[tilespmem:v1+s13+$0x0] =	vst.idx.add.f32.msk $0xffff, v0  }
0x90: {  	_ =	swait.ge [sflag:s24], $0x4000  }
0x91: {  	[sflag:s24] =	ssyncset.done $0x0  }
0x92: {  	[sflag:s24] =	ssyncadd.s32 $0xFFFFC000  }
0x93: {  	[hbm4b:s10+s18] =	stream.strided.scatter [tilespmem:s13], [sflag:$0x5], $0x2800, s29, s18, $0x38;
	[tilespmem:$0x1F800] =	vst v63  }
0x94: {  	_ =	swait.ge [sflag:s14], $0x2800  }
0x95: {  	s30 =	sadd.s32 $0x1, s30;
	[sflag:s14] =	ssyncset.done $0x0  }
0x96: {  	p0 =	sne.s32 s30, s12;
	[sflag:s14] =	ssyncadd.s32 $0xFFFFD800  }
.Ltmp2:
0x97: {  	[bflag:$0x0] =	sbarrier.arrive $0xFFFF;
	(pc) =	sbr.rel @p0 .LBB2_1-.Ltmp2, $4  }
0x98: {  	[hbm:s11], [sflag:s15] =	dma.local [spmem:s16], $0x2800  }
0x99: {  	_ =	swait.ge [sflag:s14], $0x2800  }
0x9a: {  	[sflag:s14] =	ssyncset.done $0x0  }
0x9b: {  	[sflag:s14] =	ssyncadd.s32 $0xFFFFD800  }
0x9c: {  	_ =	sfence.sel $0x180000  }
0x9d: {  	[bflag:$0x0] =	sbarrier.arrive $0xFFFF  }
0x9e: {  	_ =	strace $0x90000047  }
0x9f: {  	s0 =	stileid.u32;
	[bflag:$0x2] =	sbarrier.arrive $0xFFFF  }
0xa0: {  	p0 =	sne.s32 s0, $0x0;
	s0 =	rddreg [dreg:$0x4]  }
0xa1: {  	s0 =	sadd.s32 @!p0 $0x100000, s0  }
0xa2: {  	[sflag:s0] =	ssyncadd.tile.s32 @!p0 $0x1;
	_ =	shalt  }
.Lfunc_end2:
_tile_overlayer_lowered:
.L_overlay_start_2:
0xa3: {  	(tag) =	ssettag $0x2  }
0xa4: {  	s0 =	rddreg [dreg:$0x0];
	s2 =	stileid.u32  }
0xa5: {  	s1 =	rddreg [dreg:$0x1];
	p0 =	sne.s32 s2, $0x0  }
0xa6: {  	s3 =	rddreg [dreg:$0x2];
	[bflag:$0x3] =	sbarrier.arrive $0xFFFF;
	s2 =	simm.s32 @!p0 $0x1C05  }
0xa7: {  	[timem:s3], [sflag:s2] =	dma.local @!p0 [hbm:s0], s1  }
0xa8: {  	s0 =	simm.s32 @!p0 $0x5  }
0xa9: {  	_ =	swait.ge @!p0 [sflag:s0], s1  }
0xaa: {  	s1 =	ssub.s32 @!p0 $0x0, s1;
	[sflag:s0] =	ssyncset.done @!p0 $0x0  }
0xab: {  	[sflag:s0] =	ssyncadd.s32 @!p0 s1  }
0xac: {  	[bflag:$0x3] =	sbarrier.arrive $0xFFFF  }
0xad: {  	_ =	shalt  }

</sc_bundles>
